<compile_context>
chip_gen: v7x
topology: tpu7x:2x2x1
jax: 0.10.2.dev20260603
libtpu: 0.0.44.dev20260713+nightly
codegen_flags: <defaults>
</compile_context>

<pallas_src>
import functools

import jax
import jax.numpy as jnp
from jax import lax
from jax.experimental import pallas as pl
from jax.experimental.pallas import tpu as pltpu
from jax.experimental.pallas import tpu_sc as plsc

_BATCH = 16384
_TABLE = 1000
_NC = 2
_NS = 16
_NW = _NC * _NS
_CHUNK = _BATCH // _NW
_L = 16


def _sqrt16(x):
    i = plsc.bitcast(x, jnp.int32)
    i = 0x5F3759DF - (i >> 1)
    y = plsc.bitcast(i, jnp.float32)
    xh = x * 0.5
    y = y * (1.5 - xh * y * y)
    y = y * (1.5 - xh * y * y)
    return x * y


@functools.partial(
    pl.kernel,
    mesh=plsc.VectorSubcoreMesh(core_axis_name="c", subcore_axis_name="s"),
    out_type=(
        jax.ShapeDtypeStruct((_BATCH,), jnp.float32),
        jax.ShapeDtypeStruct((_BATCH,), jnp.float32),
    ),
    scratch_types=[
        pltpu.VMEM((_CHUNK,), jnp.int32),
        pltpu.VMEM((_TABLE,), jnp.float32),
        pltpu.VMEM((_CHUNK,), jnp.float32),
        pltpu.VMEM((_CHUNK,), jnp.float32),
        pltpu.SemaphoreType.DMA,
        pltpu.SemaphoreType.DMA,
    ],
    compiler_params=pltpu.CompilerParams(
        needs_layout_passes=False,
        skip_device_barrier=True,
        disable_bounds_checks=True,
        disable_semaphore_checks=True,
    ),
)
def _encode_sc(t_hbm, tab_hbm, o0_hbm, o1_hbm, idx_v, tab_v, s0_v, s1_v,
               sem0, sem1):
    wid = lax.axis_index("s") * _NC + lax.axis_index("c")
    base = wid * _CHUNK
    cp_idx = pltpu.async_copy(t_hbm.at[pl.ds(base, _CHUNK)], idx_v, sem0)
    cp_tab = pltpu.async_copy(tab_hbm, tab_v, sem1)
    cp_idx.wait()
    cp_tab.wait()
    @plsc.parallel_loop(0, _CHUNK, _L, unroll=2)
    def _step(i):
        sl = pl.ds(i, _L)
        a = plsc.load_gather(tab_v, [idx_v[sl]])
        s0_v[sl] = _sqrt16(a)
        s1_v[sl] = _sqrt16(1.0 - a)
    cp0 = pltpu.async_copy(s0_v, o0_hbm.at[pl.ds(base, _CHUNK)], sem0)
    cp1 = pltpu.async_copy(s1_v, o1_hbm.at[pl.ds(base, _CHUNK)], sem1)
    cp0.wait()
    cp1.wait()


def kernel(t, alphas_cumprod):
    s0, s1 = _encode_sc(t.astype(jnp.int32), alphas_cumprod)
    return jnp.stack([s0, s1], axis=-1)

# --- scband reference (transcript-rebuilt; emitter-appended) ---
"""Pipeline reference for scband-fixed-timestep-encoding-29523605193083 (READ-ONLY COPY).

The authoritative reference and input builder live on the scoring server;
editing this copy changes nothing except your own understanding.
"""

import jax, jax.numpy as jnp
import numpy as np

NUM_TIMESTEPS = 1000
BATCH = 16384

def _make_alphas_cumprod():
    betas = jnp.linspace(1e-4, 0.02, NUM_TIMESTEPS, dtype=jnp.float32)
    alphas = 1.0 - betas
    return jnp.cumprod(alphas)

def setup_inputs(seed: int = 0) -> dict:
    key = jax.random.key(seed)
    t = jax.random.randint(key, (BATCH,), 0, NUM_TIMESTEPS, dtype=jnp.int64 if jax.config.jax_enable_x64 else jnp.int32)
    alphas_cumprod = _make_alphas_cumprod()
    return {"t": t, "alphas_cumprod": alphas_cumprod}

def reference(t, alphas_cumprod):
    alpha_bar = jnp.take(alphas_cumprod, t, axis=0)
    signal_scale = jnp.sqrt(alpha_bar)
    noise_scale = jnp.sqrt(1.0 - alpha_bar)
    return jnp.stack([signal_scale, noise_scale], axis=-1)

if __name__ == "__main__":
    import jax
    _d = setup_inputs()
    print(jax.jit(kernel)(*tuple(_d.values())))

</pallas_src>

<mosaic_0001>
#map = affine_map<(d0, d1) -> (0)>
module attributes {stable_mosaic.version = 14 : i64} {
  func.func @_encode_sc(%arg0: i32, %arg1: i32, %arg2: memref<16384xi32, #tpu.memory_space<hbm>>, %arg3: memref<1000xf32, #tpu.memory_space<hbm>>, %arg4: memref<16384xf32, #tpu.memory_space<hbm>>, %arg5: memref<16384xf32, #tpu.memory_space<hbm>>, %arg6: memref<512xi32, #tpu.memory_space<vmem>>, %arg7: memref<1000xf32, #tpu.memory_space<vmem>>, %arg8: memref<512xf32, #tpu.memory_space<vmem>>, %arg9: memref<512xf32, #tpu.memory_space<vmem>>, %arg10: memref<!tpu.dma_semaphore, #tpu.memory_space<semaphore_mem>>, %arg11: memref<!tpu.dma_semaphore, #tpu.memory_space<semaphore_mem>>) attributes {dimension_semantics = [#tpu.dimension_semantics<core_parallel>, #tpu.dimension_semantics<subcore_parallel>], iteration_bounds = array<i64: 2, 16>, scalar_prefetch = 0 : i64, scratch_operands = 6 : i64, tpu.core_type = #tpu.core_type<sc_vector_subcore>, window_params = [{transform_indices = #map}, {transform_indices = #map}, {transform_indices = #map}, {transform_indices = #map}]} {
    %mul3A = arith.constant 2 : i32
    %mul3A_0 = arith.muli %arg1, %mul3A : i32
    %add3A = arith.addi %mul3A_0, %arg0 : i32
    %mul3A_1 = arith.constant 512 : i32
    %mul3A_2 = arith.muli %add3A, %mul3A_1 : i32
    %dma_start3A = tpu.memref_slice %arg2[%mul3A_2] : memref<16384xi32, #tpu.memory_space<hbm>> -> memref<512xi32, #tpu.memory_space<hbm>>
    %dma_start3A_3 = tpu.memref_slice %arg2[%mul3A_2] : memref<16384xi32, #tpu.memory_space<hbm>> -> memref<512xi32, #tpu.memory_space<hbm>>
    tpu.enqueue_dma source(%dma_start3A_3 : memref<512xi32, #tpu.memory_space<hbm>>) target(%arg6 : memref<512xi32, #tpu.memory_space<vmem>>) target_semaphore(%arg10 : memref<!tpu.dma_semaphore, #tpu.memory_space<semaphore_mem>>)
    tpu.enqueue_dma source(%arg3 : memref<1000xf32, #tpu.memory_space<hbm>>) target(%arg7 : memref<1000xf32, #tpu.memory_space<vmem>>) target_semaphore(%arg11 : memref<!tpu.dma_semaphore, #tpu.memory_space<semaphore_mem>>)
    %dma_wait3A = tpu.memref_slice %arg2[%mul3A_2] : memref<16384xi32, #tpu.memory_space<hbm>> -> memref<512xi32, #tpu.memory_space<hbm>>
    %dma_wait3A_4 = tpu.memref_slice %arg2[%mul3A_2] : memref<16384xi32, #tpu.memory_space<hbm>> -> memref<512xi32, #tpu.memory_space<hbm>>
    tpu.wait_dma2 semaphore(%arg10 : memref<!tpu.dma_semaphore, #tpu.memory_space<semaphore_mem>>) src(%dma_wait3A_4 : memref<512xi32, #tpu.memory_space<hbm>>) dst(%arg6 : memref<512xi32, #tpu.memory_space<vmem>>)
    tpu.wait_dma2 semaphore(%arg11 : memref<!tpu.dma_semaphore, #tpu.memory_space<semaphore_mem>>) src(%arg3 : memref<1000xf32, #tpu.memory_space<hbm>>) dst(%arg7 : memref<1000xf32, #tpu.memory_space<vmem>>)
    %parallel_loop3A = arith.constant 0 : i32
    %parallel_loop3A_5 = arith.constant 512 : i32
    %parallel_loop3A_6 = arith.constant 16 : i32
    scf.for %parallel_loop3A_15 = %parallel_loop3A to %parallel_loop3A_5 step %parallel_loop3A_6  : i32 {
      %parallel_loop3A_16 = arith.index_cast %parallel_loop3A_15 : i32 to index
      %parallel_loop3A_17 = tpu.vector_load %arg6[%parallel_loop3A_16] {strides = array<i32>} : memref<512xi32, #tpu.memory_space<vmem>>, vector<16xi32>,
      %parallel_loop3A_18 = tpu.vector_load_idx %arg7[%parallel_loop3A_17] : memref<1000xf32, #tpu.memory_space<vmem>>[vector<16xi32>], vector<16xf32>,
      %parallel_loop3A_19 = vector.bitcast %parallel_loop3A_18 : vector<16xf32> to vector<16xi32>
      %parallel_loop3A_20 = arith.constant 1 : i32
      %parallel_loop3A_21 = vector.broadcast %parallel_loop3A_20 : i32 to vector<16xi32>
      %parallel_loop3A_22 = arith.shrsi %parallel_loop3A_19, %parallel_loop3A_21 : vector<16xi32>
      %parallel_loop3A_23 = arith.constant 1597463007 : i32
      %parallel_loop3A_24 = vector.broadcast %parallel_loop3A_23 : i32 to vector<16xi32>
      %parallel_loop3A_25 = arith.subi %parallel_loop3A_24, %parallel_loop3A_22 : vector<16xi32>
      %parallel_loop3A_26 = vector.bitcast %parallel_loop3A_25 : vector<16xi32> to vector<16xf32>
      %parallel_loop3A_27 = arith.constant 5.000000e-01 : f32
      %parallel_loop3A_28 = vector.broadcast %parallel_loop3A_27 : f32 to vector<16xf32>
      %parallel_loop3A_29 = arith.mulf %parallel_loop3A_18, %parallel_loop3A_28 : vector<16xf32>
      %parallel_loop3A_30 = arith.mulf %parallel_loop3A_29, %parallel_loop3A_26 : vector<16xf32>
      %parallel_loop3A_31 = arith.mulf %parallel_loop3A_30, %parallel_loop3A_26 : vector<16xf32>
      %parallel_loop3A_32 = arith.constant 1.500000e+00 : f32
      %parallel_loop3A_33 = vector.broadcast %parallel_loop3A_32 : f32 to vector<16xf32>
      %parallel_loop3A_34 = arith.subf %parallel_loop3A_33, %parallel_loop3A_31 : vector<16xf32>
      %parallel_loop3A_35 = arith.mulf %parallel_loop3A_26, %parallel_loop3A_34 : vector<16xf32>
      %parallel_loop3A_36 = arith.mulf %parallel_loop3A_29, %parallel_loop3A_35 : vector<16xf32>
      %parallel_loop3A_37 = arith.mulf %parallel_loop3A_36, %parallel_loop3A_35 : vector<16xf32>
      %parallel_loop3A_38 = arith.constant 1.500000e+00 : f32
      %parallel_loop3A_39 = vector.broadcast %parallel_loop3A_38 : f32 to vector<16xf32>
      %parallel_loop3A_40 = arith.subf %parallel_loop3A_39, %parallel_loop3A_37 : vector<16xf32>
      %parallel_loop3A_41 = arith.mulf %parallel_loop3A_35, %parallel_loop3A_40 : vector<16xf32>
      %parallel_loop3A_42 = arith.mulf %parallel_loop3A_18, %parallel_loop3A_41 : vector<16xf32>
      %parallel_loop3A_43 = arith.index_cast %parallel_loop3A_15 : i32 to index
      %parallel_loop3A_44 = tpu.vector_load %arg8[%parallel_loop3A_43] {strides = array<i32>} : memref<512xf32, #tpu.memory_space<vmem>>, vector<16xf32>,
      tpu.vector_store %arg8[%parallel_loop3A_43], %parallel_loop3A_42 {strides = array<i32>} : memref<512xf32, #tpu.memory_space<vmem>>, vector<16xf32>,
      %parallel_loop3A_45 = arith.constant 1.000000e+00 : f32
      %parallel_loop3A_46 = vector.broadcast %parallel_loop3A_45 : f32 to vector<16xf32>
      %parallel_loop3A_47 = arith.subf %parallel_loop3A_46, %parallel_loop3A_18 : vector<16xf32>
      %parallel_loop3A_48 = vector.bitcast %parallel_loop3A_47 : vector<16xf32> to vector<16xi32>
      %parallel_loop3A_49 = arith.constant 1 : i32
      %parallel_loop3A_50 = vector.broadcast %parallel_loop3A_49 : i32 to vector<16xi32>
      %parallel_loop3A_51 = arith.shrsi %parallel_loop3A_48, %parallel_loop3A_50 : vector<16xi32>
      %parallel_loop3A_52 = arith.constant 1597463007 : i32
      %parallel_loop3A_53 = vector.broadcast %parallel_loop3A_52 : i32 to vector<16xi32>
      %parallel_loop3A_54 = arith.subi %parallel_loop3A_53, %parallel_loop3A_51 : vector<16xi32>
      %parallel_loop3A_55 = vector.bitcast %parallel_loop3A_54 : vector<16xi32> to vector<16xf32>
      %parallel_loop3A_56 = arith.constant 5.000000e-01 : f32
      %parallel_loop3A_57 = vector.broadcast %parallel_loop3A_56 : f32 to vector<16xf32>
      %parallel_loop3A_58 = arith.mulf %parallel_loop3A_47, %parallel_loop3A_57 : vector<16xf32>
      %parallel_loop3A_59 = arith.mulf %parallel_loop3A_58, %parallel_loop3A_55 : vector<16xf32>
      %parallel_loop3A_60 = arith.mulf %parallel_loop3A_59, %parallel_loop3A_55 : vector<16xf32>
      %parallel_loop3A_61 = arith.constant 1.500000e+00 : f32
      %parallel_loop3A_62 = vector.broadcast %parallel_loop3A_61 : f32 to vector<16xf32>
      %parallel_loop3A_63 = arith.subf %parallel_loop3A_62, %parallel_loop3A_60 : vector<16xf32>
      %parallel_loop3A_64 = arith.mulf %parallel_loop3A_55, %parallel_loop3A_63 : vector<16xf32>
      %parallel_loop3A_65 = arith.mulf %parallel_loop3A_58, %parallel_loop3A_64 : vector<16xf32>
      %parallel_loop3A_66 = arith.mulf %parallel_loop3A_65, %parallel_loop3A_64 : vector<16xf32>
      %parallel_loop3A_67 = arith.constant 1.500000e+00 : f32
      %parallel_loop3A_68 = vector.broadcast %parallel_loop3A_67 : f32 to vector<16xf32>
      %parallel_loop3A_69 = arith.subf %parallel_loop3A_68, %parallel_loop3A_66 : vector<16xf32>
      %parallel_loop3A_70 = arith.mulf %parallel_loop3A_64, %parallel_loop3A_69 : vector<16xf32>
      %parallel_loop3A_71 = arith.mulf %parallel_loop3A_47, %parallel_loop3A_70 : vector<16xf32>
      %parallel_loop3A_72 = arith.index_cast %parallel_loop3A_15 : i32 to index
      %parallel_loop3A_73 = tpu.vector_load %arg9[%parallel_loop3A_72] {strides = array<i32>} : memref<512xf32, #tpu.memory_space<vmem>>, vector<16xf32>,
      tpu.vector_store %arg9[%parallel_loop3A_72], %parallel_loop3A_71 {strides = array<i32>} : memref<512xf32, #tpu.memory_space<vmem>>, vector<16xf32>,
    } {sc.loop_unroll_factor = 2 : i64, sc.parallel_access}
    %dma_start3A_7 = tpu.memref_slice %arg4[%mul3A_2] : memref<16384xf32, #tpu.memory_space<hbm>> -> memref<512xf32, #tpu.memory_space<hbm>>
    %dma_start3A_8 = tpu.memref_slice %arg4[%mul3A_2] : memref<16384xf32, #tpu.memory_space<hbm>> -> memref<512xf32, #tpu.memory_space<hbm>>
    tpu.enqueue_dma source(%arg8 : memref<512xf32, #tpu.memory_space<vmem>>) target(%dma_start3A_8 : memref<512xf32, #tpu.memory_space<hbm>>) target_semaphore(%arg10 : memref<!tpu.dma_semaphore, #tpu.memory_space<semaphore_mem>>)
    %dma_start3A_9 = tpu.memref_slice %arg5[%mul3A_2] : memref<16384xf32, #tpu.memory_space<hbm>> -> memref<512xf32, #tpu.memory_space<hbm>>
    %dma_start3A_10 = tpu.memref_slice %arg5[%mul3A_2] : memref<16384xf32, #tpu.memory_space<hbm>> -> memref<512xf32, #tpu.memory_space<hbm>>
    tpu.enqueue_dma source(%arg9 : memref<512xf32, #tpu.memory_space<vmem>>) target(%dma_start3A_10 : memref<512xf32, #tpu.memory_space<hbm>>) target_semaphore(%arg11 : memref<!tpu.dma_semaphore, #tpu.memory_space<semaphore_mem>>)
    %dma_wait3A_11 = tpu.memref_slice %arg4[%mul3A_2] : memref<16384xf32, #tpu.memory_space<hbm>> -> memref<512xf32, #tpu.memory_space<hbm>>
    %dma_wait3A_12 = tpu.memref_slice %arg4[%mul3A_2] : memref<16384xf32, #tpu.memory_space<hbm>> -> memref<512xf32, #tpu.memory_space<hbm>>
    tpu.wait_dma2 semaphore(%arg10 : memref<!tpu.dma_semaphore, #tpu.memory_space<semaphore_mem>>) src(%arg8 : memref<512xf32, #tpu.memory_space<vmem>>) dst(%dma_wait3A_12 : memref<512xf32, #tpu.memory_space<hbm>>)
    %dma_wait3A_13 = tpu.memref_slice %arg5[%mul3A_2] : memref<16384xf32, #tpu.memory_space<hbm>> -> memref<512xf32, #tpu.memory_space<hbm>>
    %dma_wait3A_14 = tpu.memref_slice %arg5[%mul3A_2] : memref<16384xf32, #tpu.memory_space<hbm>> -> memref<512xf32, #tpu.memory_space<hbm>>
    tpu.wait_dma2 semaphore(%arg11 : memref<!tpu.dma_semaphore, #tpu.memory_space<semaphore_mem>>) src(%arg9 : memref<512xf32, #tpu.memory_space<vmem>>) dst(%dma_wait3A_14 : memref<512xf32, #tpu.memory_space<hbm>>)
    return
  }
}

</mosaic_0001>

<sc_bundles>
// kernel: kernel.3.cloned.1.call-start
scs
__scs_entry_jumppad:
0x0: {  	(pc) =	sbr.rel $0x88, $3  }
0x1: {  	(tag) =	ssettag $0x0;
	lr =	simm.s32 $0x1  }
0x2: {  	[smem:$0x3F9F] =	sst lr;
	_ =	strace $0xD0000000  }
0x3: {  	_ = 	snop  }
0x4: {  	_ = 	snop  }
0x5: {  	_ = 	snop  }
0x6: {  	_ = 	snop  }
0x7: {  	_ = 	snop  }
__scs_overlays_trampoline_lowered:
0x8: {  	[smem:$0x3FAE] =	sst s0  }
0x9: {  	[smem:$0x3FAF] =	sst s1  }
0xa: {  	[smem:$0x3FB0] =	sst s2  }
0xb: {  	[smem:$0x3FB1] =	sst s3  }
0xc: {  	[smem:$0x3FB2] =	sst s4  }
0xd: {  	[smem:$0x3FB3] =	sst s5  }
0xe: {  	[smem:$0x3FB4] =	sst s6  }
0xf: {  	[smem:$0x3FB5] =	sst s7  }
0x10: {  	[smem:$0x3FB6] =	sst s8  }
0x11: {  	[smem:$0x3FB7] =	sst s9;
	s0 =	simm.s32 @!p0 $0x0  }
0x12: {  	s1 =	sld [smem:$0x3F9D];
	s0 =	simm.s32 @p0 $0x1  }
0x13: {  	[smem:$0x3FB8] =	sst s0;
	s0 =	simm.s32 @!p1 $0x0  }
0x14: {  	s2 =	sld [smem:$0x3F9C];
	s0 =	simm.s32 @p1 $0x1  }
0x15: {  	[smem:$0x3FB9] =	sst s0;
	s0 =	simm.s32 @!p2 $0x0  }
0x16: {  	s3 =	sld [smem:$0x3FDB];
	s0 =	simm.s32 @p2 $0x1  }
0x17: {  	s4 =	simm.s32 $0x1BF5;
	[smem:$0x3FBB] =	sst s0  }
0x18: {  	s0 =	sld [smem:$0x3F9E];
	_ =	swait.ge [sflag:s4], $0x0  }
0x19: {  	s7 =	sld [smem:$0x3F9F]  }
0x1a: {  	s8 =	sadd.s32 $0xFFFFE003, lr  }
0x1b: {  	s9 =	sadd.s32 $0xFFFFFEF7, lr;
	s5 =	simm.s32 $0xFFFFFFFF;
	p2 =	slt.u32 s8, $0xFFFFF086  }
0x1c: {  	p1 =	slt.u32 s9, $0xF7A;
	s5 =	simm.s32 @!p2 $0x0  }
0x1d: {  	s5 =	simm.s32 @p1 $0x1;
	p0 =	seq.s32 s7, s2  }
0x1e: {  	s7 =	smul.u32 @!p0 $0xF7A, s2;
	p2 =	seq.s32 @!p0 s5, $0x0  }
0x1f: {  	s9 =	smul.u32 $0xF7A, s1;
	s8 =	simm.s32 @!p0 $0x1BF5;
	p2 =	por !p2, p0  }
0x20: {  	[sflag:s8] =	ssyncset.s32 @!p0 $0xFFFFF086;
	s6 =	sadd.s32 @!p0 s3, s7;
	s7 =	simm.s32 @!p0 $0x108  }
0x21: {  	s3 =	sadd.s32 s3, s9;
	s6 =	sadd.s32 @!p0 $0x88, s6;
	s7 =	simm.s32 @p2 $0x1082  }
0x22: {  	[simem:s7], [sflag:s8] =	dma.local @!p0 [hbm:s6], $0xF7A  }
0x23: {  	s9 =	sor.u32 $0xD0000000, s2;
	s6 =	simm.s32 $0x108;
	_ =	swait.ge @!p0 [sflag:s8], $0x0  }
0x24: {  	s3 =	sadd.s32 $0x88, s3;
	s6 =	simm.s32 @!p1 $0x1082;
	[sflag:s4] =	ssyncset.s32 $0xFFFFF086  }
0x25: {  	[simem:s6], [sflag:s4] =	dma.local [hbm:s3], $0xF7A  }
0x26: {  	[smem:$0x3F9F] =	sst s1;
	(tag) =	ssettag s2;
	_ =	strace s9  }
0x27: {  	s1 =	sld [smem:$0x3FAF]  }
0x28: {  	s2 =	sld [smem:$0x3FB0]  }
0x29: {  	s4 =	sld [smem:$0x3FB2]  }
0x2a: {  	p0 =	seq.s32 s5, $0x0;
	s5 =	sld [smem:$0x3FB3]  }
0x2b: {  	s6 =	sld [smem:$0x3FB4]  }
0x2c: {  	s7 =	sld [smem:$0x3FB5]  }
0x2d: {  	s3 =	simm.s32 $0x108;
	s8 =	sld [smem:$0x3FB6]  }
0x2e: {  	s3 =	simm.s32 @!p0 $0x1082;
	s9 =	sld [smem:$0x3FB7]  }
0x2f: {  	lr =	sadd.s32 s0, s3;
	s0 =	sld [smem:$0x3FAE]  }
0x30: {  	s3 =	sld [smem:$0x3FB1]  }
0x31: {  	[smem:$0x3FBA] =	sst s10  }
0x32: {  	s10 =	sld [smem:$0x3FB8];
	_ =	sdelay $0x3  }
0x33: {  	p0 =	seq.s32 s10, $0x1;
	s10 =	sld [smem:$0x3FBA];
	_ =	sdelay $0x3  }
0x34: {  	[smem:$0x3FBA] =	sst s10  }
0x35: {  	s10 =	sld [smem:$0x3FB9];
	_ =	sdelay $0x3  }
0x36: {  	p1 =	seq.s32 s10, $0x1;
	s10 =	sld [smem:$0x3FBA];
	_ =	sdelay $0x3  }
0x37: {  	[smem:$0x3FBA] =	sst s10  }
0x38: {  	s10 =	sld [smem:$0x3FBB]  }
0x39: {  	_ = 	snop;
	(pc) =	sbr.ind lr, $3  }
0x3a: {  	_ = 	snop  }
0x3b: {  	_ = 	snop  }
0x3c: {  	p2 =	seq.s32 s10, $0x1;
	s10 =	sld [smem:$0x3FBA]  }
0x3d: {  	_ =	shalt  }
0x3e: {  	_ =	shalt  }
0x3f: {  	_ =	shalt  }
0x40: {  	_ =	shalt  }
0x41: {  	_ =	shalt  }
0x42: {  	_ =	shalt  }
0x43: {  	_ =	shalt  }
0x44: {  	_ =	shalt  }
0x45: {  	_ =	shalt  }
0x46: {  	_ =	shalt  }
0x47: {  	_ =	shalt  }
0x48: {  	_ =	shalt  }
0x49: {  	_ =	shalt  }
0x4a: {  	_ =	shalt  }
0x4b: {  	_ =	shalt  }
0x4c: {  	_ =	shalt  }
0x4d: {  	_ =	shalt  }
0x4e: {  	_ =	shalt  }
0x4f: {  	_ =	shalt  }
0x50: {  	_ =	shalt  }
0x51: {  	_ =	shalt  }
0x52: {  	_ =	shalt  }
0x53: {  	_ =	shalt  }
0x54: {  	_ =	shalt  }
0x55: {  	_ =	shalt  }
0x56: {  	_ =	shalt  }
0x57: {  	_ =	shalt  }
0x58: {  	_ =	shalt  }
0x59: {  	_ =	shalt  }
0x5a: {  	_ =	shalt  }
0x5b: {  	_ =	shalt  }
0x5c: {  	_ =	shalt  }
0x5d: {  	_ =	shalt  }
0x5e: {  	_ =	shalt  }
0x5f: {  	_ =	shalt  }
0x60: {  	_ =	shalt  }
0x61: {  	_ =	shalt  }
0x62: {  	_ =	shalt  }
0x63: {  	_ =	shalt  }
0x64: {  	_ =	shalt  }
0x65: {  	_ =	shalt  }
0x66: {  	_ =	shalt  }
0x67: {  	_ =	shalt  }
0x68: {  	_ =	shalt  }
0x69: {  	_ =	shalt  }
0x6a: {  	_ =	shalt  }
0x6b: {  	_ =	shalt  }
0x6c: {  	_ =	shalt  }
0x6d: {  	_ =	shalt  }
0x6e: {  	_ =	shalt  }
0x6f: {  	_ =	shalt  }
0x70: {  	_ =	shalt  }
0x71: {  	_ =	shalt  }
0x72: {  	_ =	shalt  }
0x73: {  	_ =	shalt  }
0x74: {  	_ =	shalt  }
0x75: {  	_ =	shalt  }
0x76: {  	_ =	shalt  }
0x77: {  	_ =	shalt  }
0x78: {  	_ =	shalt  }
0x79: {  	_ =	shalt  }
0x7a: {  	_ =	shalt  }
0x7b: {  	_ =	shalt  }
0x7c: {  	_ =	shalt  }
0x7d: {  	_ =	shalt  }
0x7e: {  	_ =	shalt  }
0x7f: {  	_ =	shalt  }
0x80: {  	_ =	shalt  }
0x81: {  	_ =	shalt  }
0x82: {  	_ =	shalt  }
0x83: {  	_ =	shalt  }
0x84: {  	_ =	shalt  }
0x85: {  	_ =	shalt  }
0x86: {  	_ =	shalt  }
0x87: {  	_ =	shalt  }
.Lfunc_end0:
.L_simem_size_0:
called_computation_lowered:
.L_overlay_start_0:
0x88: {  	s2 =	sld [smem:$0x3FD9]  }
0x89: {  	s3 =	sld [smem:$0x3FFE];
	_ =	sdelay $0x1  }
0x8a: {  	s1 =	srdreg.scid  }
0x8b: {  	s0 =	sand.u32 $0x1, s1  }
0x8c: {  	s17 =	sshll.u32 s0, $0xA;
	s2 =	sadd.s32 s3, s2  }
0x8d: {  	s2 =	sadd.s32 s2, s17  }
0x8e: {  	[smem:$0x3FC6] =	sst s2  }
0x8f: {  	_ = 	snop  }
0x90: {  	s2 =	sld [smem:$0x3FC9]  }
0x91: {  	s18 =	sld [smem:$0x3FC8];
	(tm) =	ssettm $0x1  }
0x92: {  	s4 =	sld [smem:$0x3FFB];
	_ =	sdelay $0x3  }
0x93: {  	_ =	strace s4  }
0x94: {  	s4 =	sld [smem:$0x3FFC];
	_ =	sdelay $0x3  }
0x95: {  	_ =	strace s4  }
0x96: {  	s4 =	sld [smem:$0x3FFD];
	_ =	sdelay $0x3  }
0x97: {  	_ =	strace s4  }
0x98: {  	_ =	strace $0x8FFFFFFF  }
0x99: {  	s19 =	sld [smem:$0x3FDB];
	_ =	sdelay $0x1  }
0x9a: {  	s5 =	simm.s32 $_scs_section_size  }
0x9b: {  	s6 =	simm.s32 $_size__tile_overlayer_lowered;
	s7 =	simm.s32 $_tile_overlayer_lowered  }
0x9c: {  	s22 =	simm.s32 $0x1BFF;
	s21 =	sshll.u32 s7, $0x1;
	s4 =	sadd.s32 s5, s19  }
0x9d: {  	s8 =	simm.s32 $0x0;
	s20 =	sshll.u32 s6, $0x1;
	s6 =	sadd.s32 s21, s4  }
0x9e: {  	[timem:s8], [sflag:s22] =	dma.local [hbm:s6], s20  }
0x9f: {  	_ =	swait.ge [sflag:s22], s20  }
0xa0: {  	s5 =	ssub.s32 $0x0, s20;
	[sflag:s22] =	ssyncset.done $0x0  }
0xa1: {  	[sflag:s22] =	ssyncadd.s32 s5;
	_ =	sdelay $0x1  }
0xa2: {  	s23 =	simm.s32 $0x1B8B  }
0xa3: {  	_ =	swait.ge [sflag:s23], $0x1  }
0xa4: {  	[sflag:s23] =	ssyncset.done $0x0  }
0xa5: {  	s25 =	simm.s32 $0x1B8E;
	s24 =	sld [smem:$0x3FFE];
	[sflag:s23] =	ssyncadd.s32 $0xFFFFFFFF  }
0xa6: {  	s26 =	simm.s32 $execute0_lowered;
	[smem:$0x3FD2] =	sst s25  }
0xa7: {  	s6 =	sshll.u32 s26, $0x1;
	_ =	strace $0x80000046;
	[dreg:$0x1] =	wrdreg $0xFFFFFFFF  }
0xa8: {  	s28 =	simm.s32 $_size_execute0_lowered;
	s4 =	sadd.s32 s4, s6;
	[dreg:$0x0] =	wrdreg $0x0  }
0xa9: {  	s6 =	sshll.u32 s28, $0x1;
	[dreg:$0x2] =	wrdreg s4  }
0xaa: {  	[dreg:$0x3] =	wrdreg s6  }
0xab: {  	[dreg:$0x4] =	wrdreg $0xC0  }
0xac: {  	_ =	task [dreg:s8], $0x5FFFF  }
0xad: {  	[dreg:$0x1] =	wrdreg $0xFFFFFFFF  }
0xae: {  	[dreg:$0x0] =	wrdreg $0x60  }
0xaf: {  	[dreg:$0x2] =	wrdreg s2  }
0xb0: {  	[dreg:$0x3] =	wrdreg s18  }
0xb1: {  	[dreg:$0x4] =	wrdreg s24  }
0xb2: {  	[dreg:$0x5] =	wrdreg $0x9  }
0xb3: {  	_ =	task.clear_ibuf [dreg:s8], $0x6FFFF;
	_ =	strace $0x90000046  }
0xb4: {  	s29 =	simm.s32 $0x9;
	_ =	strace $0x80000048  }
0xb5: {  	_ =	swait.ge [sflag:s29], $0x1  }
0xb6: {  	[sflag:s29] =	ssyncadd.s32 $0xFFFFFFFF  }
0xb7: {  	_ =	strace $0x90000048  }
0xb8: {  	_ =	sfence  }
0xb9: {  	s30 =	sld [smem:$0x0];
	_ =	sdelay $0x2  }
0xba: {  	s31 =	sshll.u32 s1, $0xD;
	s1 =	sshrl.u32 s1, $0x2  }
0xbb: {  	s3 =	sand.u32 $0x4000, s31;
	s1 =	sadd.s32 s1, s30  }
0xbc: {  	s0 =	sor.u32 s3, s0;
	s1 =	sshll.u32 s1, $0x11  }
0xbd: {  	s0 =	sor.u32 s1, s0  }
0xbe: {  	s0 =	sadd.s32 $0x8F2B, s0  }
0xbf: {  	[sflag:s0] =	ssyncadd.remote.s32 $0x1  }
0xc0: {  	_ =	sfence.sel $0xFFFF  }
0xc1: {  	[dreg:$0x0] =	wrdreg $0xFFFFFFFF;
	(pc) =	sbr.abs _section_cstart, $3  }
0xc2: {  	[dreg:$0x1] =	wrdreg $0xFFFFFFFF  }
0xc3: {  	_ =	task.clear_ibuf [dreg:s8], $0x2FFFF;
	_ =	strace $0x9FFFFFFF  }
0xc4: {  	(tm) =	ssettm $0x7FFFFFFF  }
0xc5: {  	_ =	shalt  }
tec
execute0_lowered:
.L_overlay_start_1:
0x0: {  	(tag) =	ssettag $0x1  }
0x1: {  	s4 =	rddreg [dreg:$0x0]  }
0x2: {  	s1 =	rddreg [dreg:$0x1]  }
0x3: {  	s5 =	rddreg [dreg:$0x2]  }
0x4: {  	s0 =	rddreg [dreg:$0x3];
	s3 =	simm.s32 $0x0;
	s6 =	srdreg.scid  }
0x5: {  	s2 =	stileid.u32;
	s10 =	simm.s32 $0x2;
	s11 =	simm.s32 $0x600  }
0x6: {  	s12 =	simm.s32 $0x800;
	s13 =	simm.s32 $0x0;
	s6 =	sand.u32 $0x1, s6  }
0x7: {  	s7 =	sshll.u32 s2, $0x7;
	s8 =	sshll.u32 s6, $0x6;
	s6 =	ssub.s32 $0x2, s6  }
0x8: {  	[smem:$0x7FF] =	sst s3;
	s7 =	sor.u32 s8, s7;
	s31 =	sshrl.u32 s6, $0x1  }
0x9: {  	_ =	strace $0x80000047;
	s9 =	sadd.s32 s7, s5;
	s8 =	ssub.s32 s6, s31  }
0xa: {  	s4 =	sadd.s32 s4, s7;
	s5 =	sadd.s32 $0x800, s9;
	s6 =	sadd.s32 $0x1000, s9  }
0xb: {  	s7 =	smax.u32 s8, $0x1;
	s8 =	simm.s32 $0x200;
	s9 =	simm.s32 $0x1  }
.LBB2_1:
0xc: {  	[tilespmem:s3], [sflag:$0x1] =	stream.linear.gather [hbm4b:s4+s3], $0x200, $0x38;
	[tilespmem:$0xA00] =	vst v63  }
0xd: {  	_ = 	snop  }
0xe: {  	[tilespmem:s8], [sflag:$0x2] =	stream.linear.gather [hbm4b:s1+s3], $0x400, $0x38;
	[tilespmem:$0xA00] =	vst v63  }
0xf: {  	_ =	swait.ge [sflag:s9], $0x200  }
0x10: {  	[sflag:s9] =	ssyncset.done $0x0  }
0x11: {  	[sflag:s9] =	ssyncadd.s32 $0xFFFFFE00  }
0x12: {  	_ =	swait.ge [sflag:s10], $0x400  }
0x13: {  	[sflag:s10] =	ssyncset.done $0x0  }
0x14: {  	s14 =	simm.s32 $0x10;
	[sflag:s10] =	ssyncadd.s32 $0xFFFFFC00  }
0x15: {  	v0 =	vld [tilespmem:s14+$0x0];
	_ =	sdelay $0x4  }
0x16: {  	v1 =	vld [tilespmem:s14+$0xFFFFFFF0];
	_ =	sdelay $0x2  }
0x17: {  	s30 =	simm.s32 $0x30;
	v11 =	vld.idx.msk [tilespmem:v0+s8+$0x0], $0xffff  }
0x18: {  	v0 =	vld [tilespmem:s30+$0x0];
	_ =	sdelay $0x1  }
0x19: {  	v2 =	vld [tilespmem:s30+$0xFFFFFFF0];
	_ =	sdelay $0x1  }
0x1a: {  	v10 =	vld.idx.msk [tilespmem:v1+s8+$0x0], $0xffff;
	v4 =	vmul.f32 $5.000000000e-01, v11;
	v3 =	vshra.s32 v11, $0x1  }
0x1b: {  	v5 =	vsub.s32 $0x5F3759DF, v3  }
0x1c: {  	v1 =	vmul.f32 v5, v4;
	_ =	sdelay $0x1  }
0x1d: {  	v0 =	vld.idx.msk [tilespmem:v0+s8+$0x0], $0xffff;
	v1 =	vmul.f32 v5, v1  }
0x1e: {  	v9 =	vsub.f32 $1.000000000e+00, v11;
	v7 =	vsub.f32 $1.000000000e+00, v10  }
0x1f: {  	s31 =	simm.s32 $0x50;
	v16 =	vmul.f32 $5.000000000e-01, v10;
	v3 =	vld.idx.msk [tilespmem:v2+s8+$0x0], $0xffff;
	v2 =	vshra.s32 v10, $0x1;
	v1 =	vsub.f32 $1.500000000e+00, v1  }
0x20: {  	v8 =	vld [tilespmem:s31+$0xFFFFFFF0];
	v15 =	vmul.f32 $5.000000000e-01, v9;
	v6 =	vsub.s32 $0x5F3759DF, v2;
	v19 =	vmul.f32 $5.000000000e-01, v7  }
0x21: {  	v2 =	vshra.s32 v9, $0x1;
	v12 =	vshra.s32 v7, $0x1;
	v14 =	vmul.f32 v5, v1;
	v5 =	vld [tilespmem:s31+$0x0]  }
0x22: {  	v22 =	vsub.s32 $0x5F3759DF, v12;
	v25 =	vsub.s32 $0x5F3759DF, v2;
	v20 =	vmul.f32 $5.000000000e-01, v0  }
0x23: {  	v1 =	vshra.s32 v0, $0x1;
	v17 =	vmul.f32 v14, v4;
	v4 =	vmul.f32 v6, v16  }
0x24: {  	v13 =	vmul.f32 v22, v19;
	v21 =	vmul.f32 v25, v15;
	v18 =	vsub.s32 $0x5F3759DF, v1  }
0x25: {  	v12 =	vmul.f32 v18, v20;
	v4 =	vmul.f32 v6, v4  }
0x26: {  	v2 =	vsub.f32 $1.000000000e+00, v3;
	v23 =	vshra.s32 v3, $0x1;
	v26 =	vmul.f32 v22, v13  }
0x27: {  	v13 =	vmul.f32 $5.000000000e-01, v3;
	v12 =	vmul.f32 v18, v12;
	v24 =	vsub.f32 $1.500000000e+00, v4  }
0x28: {  	v8 =	vld.idx.msk [tilespmem:v8+s8+$0x0], $0xffff;
	v27 =	vmul.f32 v25, v21;
	v1 =	vsub.f32 $1.000000000e+00, v0;
	v28 =	vmul.f32 v17, v14  }
0x29: {  	v4 =	vld.idx.msk [tilespmem:v5+s8+$0x0], $0xffff;
	v5 =	vsub.f32 $1.500000000e+00, v12;
	v21 =	vmul.f32 v6, v24;
	v6 =	vsub.f32 $1.500000000e+00, v26  }
0x2a: {  	v17 =	vmul.f32 $5.000000000e-01, v2;
	v12 =	vmul.f32 $5.000000000e-01, v1;
	v26 =	vsub.f32 $1.500000000e+00, v27  }
0x2b: {  	v29 =	vshra.s32 v2, $0x1;
	v18 =	vmul.f32 v18, v5;
	v22 =	vmul.f32 v22, v6  }
0x2c: {  	v24 =	vsub.s32 $0x5F3759DF, v23;
	v27 =	vshra.s32 v1, $0x1;
	v26 =	vmul.f32 v25, v26  }
0x2d: {  	v5 =	vsub.f32 $1.000000000e+00, v8;
	v23 =	vmul.f32 v18, v20;
	v30 =	vmul.f32 v22, v19  }
0x2e: {  	s15 =	simm.s32 $0x610;
	s18 =	simm.s32 $0x40;
	s19 =	simm.s32 $0x70;
	v19 =	vsub.s32 $0x5F3759DF, v27;
	v27 =	vmul.f32 $5.000000000e-01, v8;
	v6 =	vsub.f32 $1.000000000e+00, v4  }
0x2f: {  	s17 =	simm.s32 $0x610;
	s16 =	simm.s32 $0x810;
	s14 =	simm.s32 $0x810;
	v25 =	vshra.s32 v8, $0x1;
	v20 =	vmul.f32 $5.000000000e-01, v4;
	v30 =	vmul.f32 v30, v22  }
.LBB2_2:
0x30: {  	v31 =	vld [tilespmem:s19+$0x0];
	s18 =	sadd.s32 $0x20, s18;
	v32 =	vmul.f32 $5.000000000e-01, v6;
	v29 =	vsub.s32 $0x5F3759DF, v29;
	v33 =	vmul.f32 v21, v16;
	s14 =	sadd.s32 $0x20, s14;
	s15 =	sadd.s32 $0x20, s15;
	v16 =	vmovc v13  }
0x31: {  	v35 =	vshra.s32 v4, $0x1;
	v36 =	vmul.f32 v19, v12;
	v37 =	vmul.f32 v26, v15;
	v15 =	vmovc v12;
	v34 =	vld [tilespmem:s19+$0xFFFFFFF0];
	p0 =	slt.u32 s18, $0x1E0;
	v13 =	vmovc v27  }
0x32: {  	v28 =	vsub.f32 $1.500000000e+00, v28;
	v27 =	vsub.s32 $0x5F3759DF, v35;
	v35 =	vmul.f32 v24, v16;
	v12 =	vmovc v32  }
0x33: {  	v30 =	vsub.f32 $1.500000000e+00, v30;
	v32 =	vmul.f32 v27, v20;
	v33 =	vmul.f32 v33, v21  }
0x34: {  	v28 =	vmul.f32 v28, v14;
	v14 =	vmov v18;
	v35 =	vmul.f32 v24, v35  }
0x35: {  	v18 =	vmul.f32 v29, v17;
	v37 =	vmul.f32 v37, v26;
	v33 =	vsub.f32 $1.500000000e+00, v33  }
0x36: {  	v32 =	vmul.f32 v27, v32;
	v28 =	vmul.f32 v28, v11;
	v11 =	vmovc v0;
	v0 =	vmovc v4;
	v35 =	vsub.f32 $1.500000000e+00, v35  }
0x37: {  	v36 =	vmul.f32 v19, v36;
	v37 =	vsub.f32 $1.500000000e+00, v37;
	v33 =	vmul.f32 v33, v21  }
0x38: {  	v21 =	vmul.f32 v24, v35;
	v24 =	vmul.f32 v29, v18;
	v4 =	vld.idx.msk [tilespmem:v31+s8+$0x0], $0xffff;
	v31 =	vsub.f32 $1.500000000e+00, v32;
	[tilespmem:s17+$0x0] =	vst v28  }
0x39: {  	v26 =	vmul.f32 v37, v26;
	v33 =	vmul.f32 v33, v10;
	v10 =	vmovc v3;
	v32 =	vld.idx.msk [tilespmem:v34+s8+$0x0], $0xffff;
	v34 =	vsub.f32 $1.500000000e+00, v36  }
0x3a: {  	v30 =	vmul.f32 v30, v22;
	v3 =	vmovc v8;
	v18 =	vmul.f32 v27, v31;
	v27 =	vsub.f32 $1.500000000e+00, v24  }
0x3b: {  	v28 =	vmul.f32 v23, v14;
	v8 =	vmul.f32 v26, v9;
	v9 =	vmovc v1;
	v24 =	vsub.s32 $0x5F3759DF, v25;
	[tilespmem:s17+$0xFFFFFFF0] =	vst v33;
	s17 =	smov.u32 s15  }
.Ltmp0:
0x3c: {  	v1 =	vmovc v6;
	v25 =	vmul.f32 $5.000000000e-01, v5;
	v31 =	vshra.s32 v6, $0x1;
	v22 =	vmul.f32 v29, v27;
	(pc) =	sbr.rel @p0 .LBB2_2-.Ltmp0, $4  }
0x3d: {  	v29 =	vshra.s32 v5, $0x1;
	v23 =	vmul.f32 v18, v20;
	v27 =	vmul.f32 v30, v7;
	v7 =	vmovc v2;
	[tilespmem:s16+$0x0] =	vst v8  }
0x3e: {  	v2 =	vmovc v5;
	v20 =	vmul.f32 $5.000000000e-01, v4;
	v6 =	vsub.f32 $1.000000000e+00, v4;
	v30 =	vmul.f32 v22, v17;
	v17 =	vmovc v25  }
0x3f: {  	v26 =	vmul.f32 v19, v34;
	v19 =	vsub.s32 $0x5F3759DF, v31;
	v5 =	vsub.f32 $1.000000000e+00, v32;
	v8 =	vmovc v32;
	[tilespmem:s16+$0xFFFFFFF0] =	vst v27;
	s16 =	smov.u32 s14  }
0x40: {  	s19 =	sadd.s32 $0x20, s19;
	v25 =	vshra.s32 v8, $0x1;
	v27 =	vmul.f32 $5.000000000e-01, v8;
	v30 =	vmul.f32 v30, v22  }
0x41: {  	v31 =	vmul.f32 $5.000000000e-01, v6;
	v16 =	vmul.f32 v21, v16  }
0x42: {  	v32 =	vshra.s32 v4, $0x1;
	v33 =	vmul.f32 v19, v12;
	v15 =	vmul.f32 v26, v15  }
0x43: {  	v34 =	vmul.f32 v24, v13;
	v28 =	vsub.f32 $1.500000000e+00, v28;
	v29 =	vsub.s32 $0x5F3759DF, v29  }
0x44: {  	v23 =	vmul.f32 v23, v18;
	v53 =	vsub.s32 $0x5F3759DF, v25;
	v54 =	vmul.f32 $5.000000000e-01, v5  }
0x45: {  	v32 =	vsub.s32 $0x5F3759DF, v32;
	v47 =	vmul.f32 v29, v17;
	v62 =	vmul.f32 v53, v27  }
0x46: {  	v56 =	vshra.s32 v6, $0x1;
	v35 =	vmul.f32 v32, v20;
	v16 =	vmul.f32 v16, v21  }
0x47: {  	v30 =	vsub.f32 $1.500000000e+00, v30;
	v34 =	vmul.f32 v24, v34;
	v14 =	vmul.f32 v28, v14  }
0x48: {  	v61 =	vsub.s32 $0x5F3759DF, v56;
	v15 =	vmul.f32 v15, v26;
	v33 =	vmul.f32 v19, v33  }
0x49: {  	v63 =	vmul.f32 v61, v31;
	v23 =	vsub.f32 $1.500000000e+00, v23;
	v28 =	vmul.f32 v29, v47  }
0x4a: {  	v22 =	vmul.f32 v30, v22;
	v16 =	vsub.f32 $1.500000000e+00, v16;
	v35 =	vmul.f32 v32, v35  }
0x4b: {  	v11 =	vmul.f32 v14, v11;
	v48 =	vsub.f32 $1.500000000e+00, v34;
	v15 =	vsub.f32 $1.500000000e+00, v15  }
0x4c: {  	v51 =	vsub.f32 $1.500000000e+00, v33;
	v34 =	vmul.f32 v23, v18;
	v7 =	vmul.f32 v22, v7  }
0x4d: {  	v50 =	vsub.f32 $1.500000000e+00, v28;
	v28 =	vmul.f32 v61, v63;
	v16 =	vmul.f32 v16, v21  }
0x4e: {  	v14 =	vmul.f32 v24, v48;
	v15 =	vmul.f32 v15, v26  }
0x4f: {  	v49 =	vsub.f32 $1.500000000e+00, v35;
	v59 =	vmul.f32 v19, v51;
	v26 =	vmul.f32 v53, v62  }
0x50: {  	v58 =	vshra.s32 v5, $0x1;
	v0 =	vmul.f32 v34, v0;
	v52 =	vmul.f32 v29, v50  }
0x51: {  	v22 =	vsub.s32 $0x5F3759DF, v58;
	v10 =	vmul.f32 v16, v10;
	v16 =	vmul.f32 v32, v49  }
0x52: {  	v37 =	vsub.f32 $1.500000000e+00, v28;
	v9 =	vmul.f32 v15, v9;
	v60 =	vmul.f32 v14, v13  }
0x53: {  	v32 =	vmul.f32 v22, v54;
	v33 =	vmul.f32 v59, v12  }
0x54: {  	v35 =	vsub.f32 $1.500000000e+00, v26;
	v57 =	vmul.f32 v52, v17;
	v40 =	vmul.f32 v61, v37  }
0x55: {  	v55 =	vmul.f32 v16, v20;
	v36 =	vmul.f32 v22, v32  }
0x56: {  	v13 =	vmul.f32 v60, v14;
	v38 =	vmul.f32 v53, v35  }
0x57: {  	v12 =	vmul.f32 v33, v59;
	v17 =	vmul.f32 v57, v52;
	v39 =	vsub.f32 $1.500000000e+00, v36  }
0x58: {  	v45 =	vmul.f32 v40, v31;
	v13 =	vsub.f32 $1.500000000e+00, v13;
	v42 =	vmul.f32 v38, v27  }
0x59: {  	v43 =	vsub.f32 $1.500000000e+00, v12;
	v44 =	vmul.f32 v55, v16;
	v41 =	vmul.f32 v22, v39  }
0x5a: {  	s15 =	sadd.s32 $0x20, s15;
	[tilespmem:s17+$0x0] =	vst v11;
	v46 =	vsub.f32 $1.500000000e+00, v17;
	v50 =	vmul.f32 v45, v40;
	v13 =	vmul.f32 v13, v14  }
0x5b: {  	[tilespmem:s15+$0x0] =	vst v0;
	v21 =	vmul.f32 v42, v38;
	v47 =	vmul.f32 v41, v54  }
0x5c: {  	[tilespmem:s17+$0xFFFFFFF0] =	vst v10;
	v48 =	vmul.f32 v43, v59;
	v49 =	vsub.f32 $1.500000000e+00, v44;
	v51 =	vmul.f32 v46, v52  }
0x5d: {  	[tilespmem:s16+$0x0] =	vst v9;
	v56 =	vsub.f32 $1.500000000e+00, v50;
	v3 =	vmul.f32 v13, v3;
	v52 =	vmul.f32 v47, v41  }
0x5e: {  	[tilespmem:s16+$0xFFFFFFF0] =	vst v7;
	v53 =	vsub.f32 $1.500000000e+00, v21;
	v54 =	vmul.f32 v48, v1;
	v55 =	vmul.f32 v49, v16  }
0x5f: {  	s14 =	sadd.s32 $0x20, s14;
	v2 =	vmul.f32 v51, v2;
	v60 =	vmul.f32 v56, v40;
	[tilespmem:s15+$0xFFFFFFF0] =	vst v3;
	v57 =	vsub.f32 $1.500000000e+00, v52  }
0x60: {  	v58 =	vmul.f32 v53, v38;
	[tilespmem:s14+$0x0] =	vst v54;
	v59 =	vmul.f32 v55, v4  }
0x61: {  	s15 =	sadd.s32 $0x20, s15;
	[tilespmem:s14+$0xFFFFFFF0] =	vst v2;
	v62 =	vmul.f32 v60, v6;
	v3 =	vmul.f32 v57, v41  }
0x62: {  	s14 =	sadd.s32 $0x20, s14;
	v61 =	vmul.f32 v58, v8;
	[tilespmem:s15+$0x0] =	vst v59  }
0x63: {  	[tilespmem:s14+$0x0] =	vst v62;
	v63 =	vmul.f32 v3, v5  }
0x64: {  	[tilespmem:s15+$0xFFFFFFF0] =	vst v61  }
0x65: {  	[tilespmem:s14+$0xFFFFFFF0] =	vst v63  }
0x66: {  	[hbm4b:s5+s3] =	stream.linear.scatter [tilespmem:s11], [sflag:$0x1], $0x200, $0x38;
	[tilespmem:$0xA00] =	vst v63  }
0x67: {  	s13 =	sadd.s32 $0x1, s13  }
0x68: {  	[hbm4b:s6+s3] =	stream.linear.scatter [tilespmem:s12], [sflag:$0x2], $0x200, $0x38;
	[tilespmem:$0xA00] =	vst v63  }
0x69: {  	p0 =	sne.s32 s13, s7;
	_ =	swait.ge [sflag:s9], $0x200  }
.Ltmp1:
0x6a: {  	[sflag:s9] =	ssyncset.done $0x0;
	(pc) =	sbr.rel @p0 .LBB2_1-.Ltmp1, $4  }
0x6b: {  	[sflag:s9] =	ssyncadd.s32 $0xFFFFFE00  }
0x6c: {  	_ =	swait.ge [sflag:s10], $0x200  }
0x6d: {  	[sflag:s10] =	ssyncset.done $0x0  }
0x6e: {  	[sflag:s10] =	ssyncadd.s32 $0xFFFFFE00  }
0x6f: {  	_ =	sfence.sel $0x180000  }
0x70: {  	[bflag:$0x0] =	sbarrier.arrive $0xFFFF  }
0x71: {  	p0 =	sne.s32 s2, $0x0;
	_ =	strace $0x90000047  }
0x72: {  	s0 =	sadd.s32 @!p0 $0x100000, s0;
	[bflag:$0x2] =	sbarrier.arrive $0xFFFF  }
0x73: {  	[sflag:s0] =	ssyncadd.tile.s32 @!p0 $0x1;
	_ =	shalt  }
.Lfunc_end2:
_tile_overlayer_lowered:
.L_overlay_start_2:
0x74: {  	(tag) =	ssettag $0x2  }
0x75: {  	s0 =	rddreg [dreg:$0x0];
	s2 =	stileid.u32  }
0x76: {  	s1 =	rddreg [dreg:$0x1];
	p0 =	sne.s32 s2, $0x0  }
0x77: {  	s3 =	rddreg [dreg:$0x2];
	[bflag:$0x3] =	sbarrier.arrive $0xFFFF;
	s2 =	simm.s32 @!p0 $0x1C03  }
0x78: {  	[timem:s3], [sflag:s2] =	dma.local @!p0 [hbm:s0], s1  }
0x79: {  	s0 =	simm.s32 @!p0 $0x3  }
0x7a: {  	_ =	swait.ge @!p0 [sflag:s0], s1  }
0x7b: {  	s1 =	ssub.s32 @!p0 $0x0, s1;
	[sflag:s0] =	ssyncset.done @!p0 $0x0  }
0x7c: {  	[sflag:s0] =	ssyncadd.s32 @!p0 s1  }
0x7d: {  	[bflag:$0x3] =	sbarrier.arrive $0xFFFF  }
0x7e: {  	_ =	shalt  }

</sc_bundles>
